<compile_context>
chip_gen: v7x
topology: tpu7x:2x2x1
jax: 0.10.2.dev20260603
libtpu: 0.0.44.dev20260713+nightly
codegen_flags: <defaults>
</compile_context>

<pallas_src>
import functools

import jax
import jax.numpy as jnp
from jax import lax
from jax.experimental import pallas as pl
from jax.experimental.pallas import tpu as pltpu
from jax.experimental.pallas import tpu_sc as plsc

_B = 1024
_N = 100000
_L = 50
_LANES = 128
_SUB = 64
_ROWS = 832
_BIG = 0x7FFFFFFF
_KS1 = 42
_KS2 = 42 ^ 0x1BD11BDA


def _threefry_pair(x0, x1):
    ks = (jnp.uint32(0), jnp.uint32(_KS1), jnp.uint32(_KS2))
    rots = ((13, 15, 26, 6), (17, 29, 16, 24))
    x0 = x0 + ks[0]
    x1 = x1 + ks[1]
    for i in range(5):
        for r in rots[i % 2]:
            x0 = x0 + x1
            x1 = (x1 << r) | (x1 >> (32 - r))
            x1 = x1 ^ x0
        x0 = x0 + ks[(i + 1) % 3]
        x1 = x1 + ks[(i + 2) % 3] + jnp.uint32(i + 1)
    return x0, x1


def _sample_body(iseq_ref, tgt_ref, neg_ref, mant_ref, j_ref):
    b = pl.program_id(0)

    @pl.when(b == 0)
    def _():
        sub = lax.broadcasted_iota(jnp.int32, (_ROWS, _LANES), 0)
        lane = lax.broadcasted_iota(jnp.int32, (_ROWS, _LANES), 1)
        j_ref[:, :] = sub * _LANES + lane

    base = (b * _N).astype(jnp.uint32)

    def chunk(i, carry):
        r0 = i * _SUB
        j = j_ref[pl.ds(r0, _SUB), :]
        x1 = j.astype(jnp.uint32) + base
        x0 = jnp.zeros((_SUB, _LANES), jnp.uint32)
        x0, x1 = _threefry_pair(x0, x1)
        mant = ((x0 ^ x1) >> 9).astype(jnp.int32)
        mant_ref[pl.ds(r0, _SUB), :] = jnp.where(j < _N, mant, jnp.int32(-1))
        return carry

    lax.fori_loop(0, _ROWS // _SUB, chunk, 0)

    tgt = tgt_ref[0, 0, 0]
    iseq = iseq_ref[0]

    def reduce_argmax():
        mv = mant_ref[:, :]
        m = jnp.max(mv)
        return jnp.min(jnp.where(mv == m, j_ref[:, :], jnp.int32(_BIG)))

    def is_banned(idx):
        return jnp.any(iseq == idx) | (idx == tgt)

    idx0 = reduce_argmax()

    def cond(c):
        return c[1]

    def body(c):
        idx_p, _ = c
        r = idx_p >> 7
        cc = idx_p & 127
        lane1 = lax.broadcasted_iota(jnp.int32, (1, _LANES), 1)
        row = mant_ref[pl.ds(r, 1), :]
        mant_ref[pl.ds(r, 1), :] = jnp.where(lane1 == cc, jnp.int32(-1), row)
        idx = reduce_argmax()
        return (idx, is_banned(idx))

    idx_f, _ = lax.while_loop(cond, body, (idx0, is_banned(idx0)))
    neg_ref[0, 0, 0] = idx_f


def _sample_neg(item_seq, target):
    iseq3 = item_seq.astype(jnp.int32).reshape(_B, 1, _L)
    tgt2 = target.astype(jnp.int32).reshape(_B, 1, 1)
    neg = pl.pallas_call(
        _sample_body,
        grid=(_B,),
        in_specs=[
            pl.BlockSpec((1, 1, _L), lambda b: (b, 0, 0)),
            pl.BlockSpec((1, 1, 1), lambda b: (b, 0, 0),
                         memory_space=pltpu.SMEM),
        ],
        out_specs=pl.BlockSpec((1, 1, 1), lambda b: (b, 0, 0),
                               memory_space=pltpu.SMEM),
        out_shape=jax.ShapeDtypeStruct((_B, 1, 1), jnp.int32),
        scratch_shapes=[
            pltpu.VMEM((_ROWS, _LANES), jnp.int32),
            pltpu.VMEM((_ROWS, _LANES), jnp.int32),
        ],
    )(iseq3, tgt2)
    return neg.reshape(_B)


_NW = 32
_BPW = _B // _NW


def _sc_gather(logits_flat, target, neg):
    mesh = plsc.VectorSubcoreMesh(core_axis_name="c", subcore_axis_name="s")

    @functools.partial(
        pl.kernel,
        mesh=mesh,
        out_type=[jax.ShapeDtypeStruct((_B,), jnp.float32),
                  jax.ShapeDtypeStruct((_B,), jnp.float32)],
        scratch_types=[
            pltpu.VMEM((_BPW,), jnp.int32),
            pltpu.VMEM((_BPW,), jnp.int32),
            pltpu.VMEM((_BPW,), jnp.float32),
            pltpu.VMEM((_BPW,), jnp.float32),
            pltpu.SemaphoreType.DMA,
            pltpu.SemaphoreType.DMA,
        ],
    )
    def gather_k(logits_hbm, tgt_hbm, neg_hbm, pos_out, negs_out,
                 ti_v, ni_v, pv, nv, s1, s2):
        wid = lax.axis_index("s") * 2 + lax.axis_index("c")
        base = wid * _BPW
        pltpu.sync_copy(tgt_hbm.at[pl.ds(base, _BPW)], ti_v)
        pltpu.sync_copy(neg_hbm.at[pl.ds(base, _BPW)], ni_v)
        for kk in range(_BPW // 16):
            sl = pl.ds(kk * 16, 16)
            rows = lax.iota(jnp.int32, 16) + (base + kk * 16)
            ti_v[sl] = rows * _N + ti_v[sl]
            ni_v[sl] = rows * _N + ni_v[sl]
        c1 = pltpu.async_copy(logits_hbm.at[ti_v], pv, s1)
        c2 = pltpu.async_copy(logits_hbm.at[ni_v], nv, s2)
        c1.wait()
        c2.wait()
        pltpu.sync_copy(pv, pos_out.at[pl.ds(base, _BPW)])
        pltpu.sync_copy(nv, negs_out.at[pl.ds(base, _BPW)])

    return gather_k(logits_flat, target.astype(jnp.int32), neg)


def _loss_body(pos_ref, neg_ref, out_ref):
    x = pos_ref[:, :] - neg_ref[:, :]
    ls = jnp.minimum(x, jnp.float32(0.0)) - jnp.log(1.0 + jnp.exp(-jnp.abs(x)))
    out_ref[0, 0] = -jnp.sum(ls) * jnp.float32(1.0 / _B)


def _loss(pos, negs):
    out = pl.pallas_call(
        _loss_body,
        in_specs=[pl.BlockSpec((8, 128), lambda: (0, 0)),
                  pl.BlockSpec((8, 128), lambda: (0, 0))],
        out_specs=pl.BlockSpec((1, 1), lambda: (0, 0),
                               memory_space=pltpu.SMEM),
        out_shape=jax.ShapeDtypeStruct((1, 1), jnp.float32),
    )(pos.reshape(8, 128), negs.reshape(8, 128))
    return out.reshape(())


def kernel(logits, item_seq, target):
    neg = _sample_neg(item_seq, target)
    pos_s, neg_s = _sc_gather(logits.reshape(-1), target, neg)
    return _loss(pos_s, neg_s)

# --- scband reference (transcript-rebuilt; emitter-appended) ---
"""Pipeline reference for scband-abstract-recommender-46746424050197 (READ-ONLY COPY).

The authoritative reference and input builder live on the scoring server;
editing this copy changes nothing except your own understanding.
"""

import jax, jax.numpy as jnp
import numpy as np

B = 1024
NUM_ITEMS = 100000
MAX_LEN = 50

def setup_inputs(seed: int = 0) -> dict:
    key = jax.random.key(seed)
    k1, k2, k3 = jax.random.split(key, 3)
    logits = jax.random.normal(k1, (B, NUM_ITEMS), dtype=jnp.float32)
    item_seq = jax.random.randint(k2, (B, MAX_LEN), 0, NUM_ITEMS).astype(jnp.int64)
    target = jax.random.randint(k3, (B,), 0, NUM_ITEMS).astype(jnp.int64)
    return {"logits": logits, "item_seq": item_seq, "target": target}

def _get_negative_items(item_seq, target, num_items, key):
    # sample_prob = ones; scatter 0 at seen items and at target; multinomial(1)
    b = item_seq.shape[0]
    rows = jnp.arange(b)
    sample_prob = jnp.ones((b, num_items), dtype=jnp.float32)
    row_idx = jnp.broadcast_to(rows[:, None], item_seq.shape)
    sample_prob = sample_prob.at[row_idx, item_seq].set(0.0)
    sample_prob = sample_prob.at[rows, target].set(0.0)
    # multinomial with num_samples=1 == categorical sampling over sample_prob
    neg = jax.random.categorical(key, jnp.log(sample_prob), axis=-1)
    return neg[:, None]  # [b, 1]

def reference(logits, item_seq, target):
    # BPR branch of AbstractRecommender.get_loss
    neg_item = _get_negative_items(item_seq, target, NUM_ITEMS, jax.random.key(42))
    pos_score = jnp.take_along_axis(logits, target[:, None], axis=-1)  # gather(logits, -1, target.unsqueeze(-1))
    neg_score = jnp.take_along_axis(logits, neg_item, axis=-1)         # gather(logits, -1, neg_item)
    loss = -jnp.mean(jax.nn.log_sigmoid(pos_score - neg_score))
    return loss

if __name__ == "__main__":
    import jax
    _d = setup_inputs()
    print(jax.jit(kernel)(*tuple(_d.values())))

</pallas_src>

<mosaic_0001>
#map = affine_map<(d0, d1) -> (0)>
module attributes {stable_mosaic.version = 14 : i64} {
  func.func @gather_k(%arg0: i32, %arg1: i32, %arg2: memref<102400000xf32, #tpu.memory_space<hbm>>, %arg3: memref<1024xi32, #tpu.memory_space<hbm>>, %arg4: memref<1024xi32, #tpu.memory_space<hbm>>, %arg5: memref<1024xf32, #tpu.memory_space<hbm>>, %arg6: memref<1024xf32, #tpu.memory_space<hbm>>, %arg7: memref<32xi32, #tpu.memory_space<vmem>>, %arg8: memref<32xi32, #tpu.memory_space<vmem>>, %arg9: memref<32xf32, #tpu.memory_space<vmem>>, %arg10: memref<32xf32, #tpu.memory_space<vmem>>, %arg11: memref<!tpu.dma_semaphore, #tpu.memory_space<semaphore_mem>>, %arg12: memref<!tpu.dma_semaphore, #tpu.memory_space<semaphore_mem>>) attributes {dimension_semantics = [#tpu.dimension_semantics<core_parallel>, #tpu.dimension_semantics<subcore_parallel>], iteration_bounds = array<i64: 2, 16>, scalar_prefetch = 0 : i64, scratch_operands = 6 : i64, tpu.core_type = #tpu.core_type<sc_vector_subcore>, window_params = [{transform_indices = #map}, {transform_indices = #map}, {transform_indices = #map}, {transform_indices = #map}, {transform_indices = #map}]} {
    %mul3A = arith.constant 2 : i32
    %mul3A_0 = arith.muli %arg1, %mul3A : i32
    %add3A = arith.addi %mul3A_0, %arg0 : i32
    %mul3A_1 = arith.constant 32 : i32
    %mul3A_2 = arith.muli %add3A, %mul3A_1 : i32
    "tpu.region"() ({
      %run_scoped3A = tpu.sem_alloc : memref<!tpu.dma_semaphore, #tpu.memory_space<semaphore_mem>>
      %dma_start3A_60 = tpu.memref_slice %arg3[%mul3A_2] : memref<1024xi32, #tpu.memory_space<hbm>> -> memref<32xi32, #tpu.memory_space<hbm>>
      %dma_start3A_61 = tpu.memref_slice %arg3[%mul3A_2] : memref<1024xi32, #tpu.memory_space<hbm>> -> memref<32xi32, #tpu.memory_space<hbm>>
      tpu.enqueue_dma source(%dma_start3A_61 : memref<32xi32, #tpu.memory_space<hbm>>) target(%arg7 : memref<32xi32, #tpu.memory_space<vmem>>) target_semaphore(%run_scoped3A : memref<!tpu.dma_semaphore, #tpu.memory_space<semaphore_mem>>)
      %dma_wait3A_62 = tpu.memref_slice %arg3[%mul3A_2] : memref<1024xi32, #tpu.memory_space<hbm>> -> memref<32xi32, #tpu.memory_space<hbm>>
      %dma_wait3A_63 = tpu.memref_slice %arg3[%mul3A_2] : memref<1024xi32, #tpu.memory_space<hbm>> -> memref<32xi32, #tpu.memory_space<hbm>>
      tpu.wait_dma2 semaphore(%run_scoped3A : memref<!tpu.dma_semaphore, #tpu.memory_space<semaphore_mem>>) src(%dma_wait3A_63 : memref<32xi32, #tpu.memory_space<hbm>>) dst(%arg7 : memref<32xi32, #tpu.memory_space<vmem>>)
      tpu.yield
    }) : () -> ()
    "tpu.region"() ({
      %run_scoped3A = tpu.sem_alloc : memref<!tpu.dma_semaphore, #tpu.memory_space<semaphore_mem>>
      %dma_start3A_60 = tpu.memref_slice %arg4[%mul3A_2] : memref<1024xi32, #tpu.memory_space<hbm>> -> memref<32xi32, #tpu.memory_space<hbm>>
      %dma_start3A_61 = tpu.memref_slice %arg4[%mul3A_2] : memref<1024xi32, #tpu.memory_space<hbm>> -> memref<32xi32, #tpu.memory_space<hbm>>
      tpu.enqueue_dma source(%dma_start3A_61 : memref<32xi32, #tpu.memory_space<hbm>>) target(%arg8 : memref<32xi32, #tpu.memory_space<vmem>>) target_semaphore(%run_scoped3A : memref<!tpu.dma_semaphore, #tpu.memory_space<semaphore_mem>>)
      %dma_wait3A_62 = tpu.memref_slice %arg4[%mul3A_2] : memref<1024xi32, #tpu.memory_space<hbm>> -> memref<32xi32, #tpu.memory_space<hbm>>
      %dma_wait3A_63 = tpu.memref_slice %arg4[%mul3A_2] : memref<1024xi32, #tpu.memory_space<hbm>> -> memref<32xi32, #tpu.memory_space<hbm>>
      tpu.wait_dma2 semaphore(%run_scoped3A : memref<!tpu.dma_semaphore, #tpu.memory_space<semaphore_mem>>) src(%dma_wait3A_63 : memref<32xi32, #tpu.memory_space<hbm>>) dst(%arg8 : memref<32xi32, #tpu.memory_space<vmem>>)
      tpu.yield
    }) : () -> ()
    %iota3A = tpu.iota {dimensions = array<i32: 0>} : vector<16xi32>
    %add3A_3 = arith.constant 0 : i32
    %add3A_4 = arith.addi %mul3A_2, %add3A_3 : i32
    %add3A_5 = vector.broadcast %add3A_4 : i32 to vector<16xi32>
    %add3A_6 = arith.addi %iota3A, %add3A_5 : vector<16xi32>
    %mul3A_7 = arith.constant 100000 : i32
    %mul3A_8 = vector.broadcast %mul3A_7 : i32 to vector<16xi32>
    %mul3A_9 = arith.muli %add3A_6, %mul3A_8 : vector<16xi32>
    %get3A = arith.constant 0 : index
    %get3A_10 = tpu.vector_load %arg7[%get3A] {strides = array<i32>} : memref<32xi32, #tpu.memory_space<vmem>>, vector<16xi32>,
    %get3A_11 = vector.shape_cast %get3A_10 : vector<16xi32> to vector<16xi32>
    %add3A_12 = arith.addi %mul3A_9, %get3A_11 : vector<16xi32>
    %swap3A = arith.constant 0 : index
    %swap3A_13 = tpu.vector_load %arg7[%swap3A] {strides = array<i32>} : memref<32xi32, #tpu.memory_space<vmem>>, vector<16xi32>,
    %swap3A_14 = vector.shape_cast %swap3A_13 : vector<16xi32> to vector<16xi32>
    %swap3A_15 = vector.shape_cast %add3A_12 : vector<16xi32> to vector<16xi32>
    tpu.vector_store %arg7[%swap3A], %swap3A_15 {strides = array<i32>} : memref<32xi32, #tpu.memory_space<vmem>>, vector<16xi32>,
    %mul3A_16 = arith.constant 100000 : i32
    %mul3A_17 = vector.broadcast %mul3A_16 : i32 to vector<16xi32>
    %mul3A_18 = arith.muli %add3A_6, %mul3A_17 : vector<16xi32>
    %get3A_19 = arith.constant 0 : index
    %get3A_20 = tpu.vector_load %arg8[%get3A_19] {strides = array<i32>} : memref<32xi32, #tpu.memory_space<vmem>>, vector<16xi32>,
    %get3A_21 = vector.shape_cast %get3A_20 : vector<16xi32> to vector<16xi32>
    %add3A_22 = arith.addi %mul3A_18, %get3A_21 : vector<16xi32>
    %swap3A_23 = arith.constant 0 : index
    %swap3A_24 = tpu.vector_load %arg8[%swap3A_23] {strides = array<i32>} : memref<32xi32, #tpu.memory_space<vmem>>, vector<16xi32>,
    %swap3A_25 = vector.shape_cast %swap3A_24 : vector<16xi32> to vector<16xi32>
    %swap3A_26 = vector.shape_cast %add3A_22 : vector<16xi32> to vector<16xi32>
    tpu.vector_store %arg8[%swap3A_23], %swap3A_26 {strides = array<i32>} : memref<32xi32, #tpu.memory_space<vmem>>, vector<16xi32>,
    %iota3A_27 = tpu.iota {dimensions = array<i32: 0>} : vector<16xi32>
    %add3A_28 = arith.constant 16 : i32
    %add3A_29 = arith.addi %mul3A_2, %add3A_28 : i32
    %add3A_30 = vector.broadcast %add3A_29 : i32 to vector<16xi32>
    %add3A_31 = arith.addi %iota3A_27, %add3A_30 : vector<16xi32>
    %mul3A_32 = arith.constant 100000 : i32
    %mul3A_33 = vector.broadcast %mul3A_32 : i32 to vector<16xi32>
    %mul3A_34 = arith.muli %add3A_31, %mul3A_33 : vector<16xi32>
    %get3A_35 = arith.constant 16 : index
    %get3A_36 = tpu.vector_load %arg7[%get3A_35] {strides = array<i32>} : memref<32xi32, #tpu.memory_space<vmem>>, vector<16xi32>,
    %get3A_37 = vector.shape_cast %get3A_36 : vector<16xi32> to vector<16xi32>
    %add3A_38 = arith.addi %mul3A_34, %get3A_37 : vector<16xi32>
    %swap3A_39 = arith.constant 16 : index
    %swap3A_40 = tpu.vector_load %arg7[%swap3A_39] {strides = array<i32>} : memref<32xi32, #tpu.memory_space<vmem>>, vector<16xi32>,
    %swap3A_41 = vector.shape_cast %swap3A_40 : vector<16xi32> to vector<16xi32>
    %swap3A_42 = vector.shape_cast %add3A_38 : vector<16xi32> to vector<16xi32>
    tpu.vector_store %arg7[%swap3A_39], %swap3A_42 {strides = array<i32>} : memref<32xi32, #tpu.memory_space<vmem>>, vector<16xi32>,
    %mul3A_43 = arith.constant 100000 : i32
    %mul3A_44 = vector.broadcast %mul3A_43 : i32 to vector<16xi32>
    %mul3A_45 = arith.muli %add3A_31, %mul3A_44 : vector<16xi32>
    %get3A_46 = arith.constant 16 : index
    %get3A_47 = tpu.vector_load %arg8[%get3A_46] {strides = array<i32>} : memref<32xi32, #tpu.memory_space<vmem>>, vector<16xi32>,
    %get3A_48 = vector.shape_cast %get3A_47 : vector<16xi32> to vector<16xi32>
    %add3A_49 = arith.addi %mul3A_45, %get3A_48 : vector<16xi32>
    %swap3A_50 = arith.constant 16 : index
    %swap3A_51 = tpu.vector_load %arg8[%swap3A_50] {strides = array<i32>} : memref<32xi32, #tpu.memory_space<vmem>>, vector<16xi32>,
    %swap3A_52 = vector.shape_cast %swap3A_51 : vector<16xi32> to vector<16xi32>
    %swap3A_53 = vector.shape_cast %add3A_49 : vector<16xi32> to vector<16xi32>
    tpu.vector_store %arg8[%swap3A_50], %swap3A_53 {strides = array<i32>} : memref<32xi32, #tpu.memory_space<vmem>>, vector<16xi32>,
    %dma_start3A = arith.constant 0 : i32
    %dma_start3A_54 = tpu.memref_slice %arg2[%dma_start3A] : memref<102400000xf32, #tpu.memory_space<hbm>> -> memref<102400000xf32, #tpu.memory_space<hbm>>
    tpu.enqueue_indirect_dma source(%dma_start3A_54 : memref<102400000xf32, #tpu.memory_space<hbm>>) target(%arg9 : memref<32xf32, #tpu.memory_space<vmem>>) offsets(%arg7 : memref<32xi32, #tpu.memory_space<vmem>>) semaphore(%arg11 : memref<!tpu.dma_semaphore, #tpu.memory_space<semaphore_mem>>)
    %dma_start3A_55 = arith.constant 0 : i32
    %dma_start3A_56 = tpu.memref_slice %arg2[%dma_start3A_55] : memref<102400000xf32, #tpu.memory_space<hbm>> -> memref<102400000xf32, #tpu.memory_space<hbm>>
    tpu.enqueue_indirect_dma source(%dma_start3A_56 : memref<102400000xf32, #tpu.memory_space<hbm>>) target(%arg10 : memref<32xf32, #tpu.memory_space<vmem>>) offsets(%arg8 : memref<32xi32, #tpu.memory_space<vmem>>) semaphore(%arg12 : memref<!tpu.dma_semaphore, #tpu.memory_space<semaphore_mem>>)
    %dma_wait3A = arith.constant 0 : i32
    %dma_wait3A_57 = tpu.memref_slice %arg2[%dma_wait3A] : memref<102400000xf32, #tpu.memory_space<hbm>> -> memref<102400000xf32, #tpu.memory_space<hbm>>
    tpu.wait_indirect_dma semaphore(%arg11 : memref<!tpu.dma_semaphore, #tpu.memory_space<semaphore_mem>>) src(%dma_wait3A_57 : memref<102400000xf32, #tpu.memory_space<hbm>>) dst(%arg9 : memref<32xf32, #tpu.memory_space<vmem>>)
    %dma_wait3A_58 = arith.constant 0 : i32
    %dma_wait3A_59 = tpu.memref_slice %arg2[%dma_wait3A_58] : memref<102400000xf32, #tpu.memory_space<hbm>> -> memref<102400000xf32, #tpu.memory_space<hbm>>
    tpu.wait_indirect_dma semaphore(%arg12 : memref<!tpu.dma_semaphore, #tpu.memory_space<semaphore_mem>>) src(%dma_wait3A_59 : memref<102400000xf32, #tpu.memory_space<hbm>>) dst(%arg10 : memref<32xf32, #tpu.memory_space<vmem>>)
    "tpu.region"() ({
      %run_scoped3A = tpu.sem_alloc : memref<!tpu.dma_semaphore, #tpu.memory_space<semaphore_mem>>
      %dma_start3A_60 = tpu.memref_slice %arg5[%mul3A_2] : memref<1024xf32, #tpu.memory_space<hbm>> -> memref<32xf32, #tpu.memory_space<hbm>>
      %dma_start3A_61 = tpu.memref_slice %arg5[%mul3A_2] : memref<1024xf32, #tpu.memory_space<hbm>> -> memref<32xf32, #tpu.memory_space<hbm>>
      tpu.enqueue_dma source(%arg9 : memref<32xf32, #tpu.memory_space<vmem>>) target(%dma_start3A_61 : memref<32xf32, #tpu.memory_space<hbm>>) target_semaphore(%run_scoped3A : memref<!tpu.dma_semaphore, #tpu.memory_space<semaphore_mem>>)
      %dma_wait3A_62 = tpu.memref_slice %arg5[%mul3A_2] : memref<1024xf32, #tpu.memory_space<hbm>> -> memref<32xf32, #tpu.memory_space<hbm>>
      %dma_wait3A_63 = tpu.memref_slice %arg5[%mul3A_2] : memref<1024xf32, #tpu.memory_space<hbm>> -> memref<32xf32, #tpu.memory_space<hbm>>
      tpu.wait_dma2 semaphore(%run_scoped3A : memref<!tpu.dma_semaphore, #tpu.memory_space<semaphore_mem>>) src(%arg9 : memref<32xf32, #tpu.memory_space<vmem>>) dst(%dma_wait3A_63 : memref<32xf32, #tpu.memory_space<hbm>>)
      tpu.yield
    }) : () -> ()
    "tpu.region"() ({
      %run_scoped3A = tpu.sem_alloc : memref<!tpu.dma_semaphore, #tpu.memory_space<semaphore_mem>>
      %dma_start3A_60 = tpu.memref_slice %arg6[%mul3A_2] : memref<1024xf32, #tpu.memory_space<hbm>> -> memref<32xf32, #tpu.memory_space<hbm>>
      %dma_start3A_61 = tpu.memref_slice %arg6[%mul3A_2] : memref<1024xf32, #tpu.memory_space<hbm>> -> memref<32xf32, #tpu.memory_space<hbm>>
      tpu.enqueue_dma source(%arg10 : memref<32xf32, #tpu.memory_space<vmem>>) target(%dma_start3A_61 : memref<32xf32, #tpu.memory_space<hbm>>) target_semaphore(%run_scoped3A : memref<!tpu.dma_semaphore, #tpu.memory_space<semaphore_mem>>)
      %dma_wait3A_62 = tpu.memref_slice %arg6[%mul3A_2] : memref<1024xf32, #tpu.memory_space<hbm>> -> memref<32xf32, #tpu.memory_space<hbm>>
      %dma_wait3A_63 = tpu.memref_slice %arg6[%mul3A_2] : memref<1024xf32, #tpu.memory_space<hbm>> -> memref<32xf32, #tpu.memory_space<hbm>>
      tpu.wait_dma2 semaphore(%run_scoped3A : memref<!tpu.dma_semaphore, #tpu.memory_space<semaphore_mem>>) src(%arg10 : memref<32xf32, #tpu.memory_space<vmem>>) dst(%dma_wait3A_63 : memref<32xf32, #tpu.memory_space<hbm>>)
      tpu.yield
    }) : () -> ()
    return
  }
}

module attributes {stable_mosaic.version = 14 : i64} {
  func.func @_sample_body(%arg0: i32, %arg1: memref<1x1x50xi32, #tpu.memory_space<vmem>>, %arg2: memref<1x1x1xi32, #tpu.memory_space<smem>>, %arg3: memref<1x1x1xi32, #tpu.memory_space<smem>>, %arg4: memref<832x128xi32, #tpu.memory_space<vmem>>, %arg5: memref<832x128xi32, #tpu.memory_space<vmem>>) attributes {dimension_semantics = [#tpu.dimension_semantics<arbitrary>], iteration_bounds = array<i64: 1024>, scalar_prefetch = 0 : i64, scratch_operands = 2 : i64, tpu.core_type = #tpu.core_type<tc>, window_params = [{transform_indices = @transform_0, window_bounds = array<i64: 1, 1, 50>}, {transform_indices = @transform_1, window_bounds = array<i64: 1, 1, 1>}, {transform_indices = @transform_2, window_bounds = array<i64: 1, 1, 1>}]} {
    %eq3A = arith.constant 0 : i32
    %eq3A_0 = arith.cmpi eq, %arg0, %eq3A : i32
    %convert_element_type3A = arith.extui %eq3A_0 : i1 to i32
    %cond3A = arith.constant 0 : i32
    %cond3A_1 = arith.cmpi ne, %convert_element_type3A, %cond3A : i32
    scf.if %cond3A_1 {
      %iota3A = tpu.iota {dimensions = array<i32: 0>} : vector<832x128xi32>
      %iota3A_48 = tpu.iota {dimensions = array<i32: 1>} : vector<832x128xi32>
      %mul3A_49 = arith.constant 128 : i32
      %mul3A_50 = vector.broadcast %mul3A_49 : i32 to vector<832x128xi32>
      %mul3A_51 = arith.muli %iota3A, %mul3A_50 : vector<832x128xi32>
      %add3A = arith.addi %mul3A_51, %iota3A_48 : vector<832x128xi32>
      %swap3A_52 = arith.constant 0 : index
      %swap3A_53 = arith.constant 0 : index
      %swap3A_54 = vector.load %arg5[%swap3A_52, %swap3A_53] : memref<832x128xi32, #tpu.memory_space<vmem>>, vector<832x128xi32>
      tpu.vector_store %arg5[%swap3A_52, %swap3A_53], %add3A {strides = array<i32>} : memref<832x128xi32, #tpu.memory_space<vmem>>, vector<832x128xi32>,
    } else {
    }
    %mul3A = arith.constant 100000 : i32
    %mul3A_2 = arith.muli %arg0, %mul3A : i32
    %scan3A = arith.constant 0 : i32
    %scan3A_3 = arith.constant 13 : i32
    %scan3A_4 = arith.addi %scan3A, %scan3A_3 : i32
    %scan3A_5 = arith.constant 1 : i32
    scf.for %scan3A_48 = %scan3A to %scan3A_4 step %scan3A_5  : i32 {
      %mul3A_49 = arith.constant 64 : i32
      %mul3A_50 = arith.muli %scan3A_48, %mul3A_49 : i32
      %get3A_51 = arith.index_cast %mul3A_50 : i32 to index
      %get3A_52 = arith.constant 0 : index
      %get3A_53 = vector.load %arg5[%get3A_51, %get3A_52] : memref<832x128xi32, #tpu.memory_space<vmem>>, vector<64x128xi32>
      %add3A = vector.broadcast %mul3A_2 : i32 to vector<64x128xi32>
      %add3A_54 = arith.addi %get3A_53, %add3A : vector<64x128xi32>
      %broadcast_in_dim3A_55 = arith.constant 0 : i32
      %broadcast_in_dim3A_56 = vector.broadcast %broadcast_in_dim3A_55 : i32 to vector<64x128xi32>
      %add3A_57 = arith.constant 0 : i32
      %add3A_58 = vector.broadcast %add3A_57 : i32 to vector<64x128xi32>
      %add3A_59 = arith.addi %broadcast_in_dim3A_56, %add3A_58 : vector<64x128xi32>
      %add3A_60 = arith.constant 42 : i32
      %add3A_61 = vector.broadcast %add3A_60 : i32 to vector<64x128xi32>
      %add3A_62 = arith.addi %add3A_54, %add3A_61 : vector<64x128xi32>
      %add3A_63 = arith.addi %add3A_59, %add3A_62 : vector<64x128xi32>
      %shift_left3A = arith.constant 13 : i32
      %shift_left3A_64 = vector.broadcast %shift_left3A : i32 to vector<64x128xi32>
      %shift_left3A_65 = arith.shli %add3A_62, %shift_left3A_64 : vector<64x128xi32>
      %shift_right_logical3A = arith.constant 19 : i32
      %shift_right_logical3A_66 = vector.broadcast %shift_right_logical3A : i32 to vector<64x128xi32>
      %shift_right_logical3A_67 = arith.shrui %add3A_62, %shift_right_logical3A_66 : vector<64x128xi32>
      %or3A_68 = arith.ori %shift_left3A_65, %shift_right_logical3A_67 : vector<64x128xi32>
      %xor3A = arith.xori %or3A_68, %add3A_63 : vector<64x128xi32>
      %add3A_69 = arith.addi %add3A_63, %xor3A : vector<64x128xi32>
      %shift_left3A_70 = arith.constant 15 : i32
      %shift_left3A_71 = vector.broadcast %shift_left3A_70 : i32 to vector<64x128xi32>
      %shift_left3A_72 = arith.shli %xor3A, %shift_left3A_71 : vector<64x128xi32>
      %shift_right_logical3A_73 = arith.constant 17 : i32
      %shift_right_logical3A_74 = vector.broadcast %shift_right_logical3A_73 : i32 to vector<64x128xi32>
      %shift_right_logical3A_75 = arith.shrui %xor3A, %shift_right_logical3A_74 : vector<64x128xi32>
      %or3A_76 = arith.ori %shift_left3A_72, %shift_right_logical3A_75 : vector<64x128xi32>
      %xor3A_77 = arith.xori %or3A_76, %add3A_69 : vector<64x128xi32>
      %add3A_78 = arith.addi %add3A_69, %xor3A_77 : vector<64x128xi32>
      %shift_left3A_79 = arith.constant 26 : i32
      %shift_left3A_80 = vector.broadcast %shift_left3A_79 : i32 to vector<64x128xi32>
      %shift_left3A_81 = arith.shli %xor3A_77, %shift_left3A_80 : vector<64x128xi32>
      %shift_right_logical3A_82 = arith.constant 6 : i32
      %shift_right_logical3A_83 = vector.broadcast %shift_right_logical3A_82 : i32 to vector<64x128xi32>
      %shift_right_logical3A_84 = arith.shrui %xor3A_77, %shift_right_logical3A_83 : vector<64x128xi32>
      %or3A_85 = arith.ori %shift_left3A_81, %shift_right_logical3A_84 : vector<64x128xi32>
      %xor3A_86 = arith.xori %or3A_85, %add3A_78 : vector<64x128xi32>
      %add3A_87 = arith.addi %add3A_78, %xor3A_86 : vector<64x128xi32>
      %shift_left3A_88 = arith.constant 6 : i32
      %shift_left3A_89 = vector.broadcast %shift_left3A_88 : i32 to vector<64x128xi32>
      %shift_left3A_90 = arith.shli %xor3A_86, %shift_left3A_89 : vector<64x128xi32>
      %shift_right_logical3A_91 = arith.constant 26 : i32
      %shift_right_logical3A_92 = vector.broadcast %shift_right_logical3A_91 : i32 to vector<64x128xi32>
      %shift_right_logical3A_93 = arith.shrui %xor3A_86, %shift_right_logical3A_92 : vector<64x128xi32>
      %or3A_94 = arith.ori %shift_left3A_90, %shift_right_logical3A_93 : vector<64x128xi32>
      %xor3A_95 = arith.xori %or3A_94, %add3A_87 : vector<64x128xi32>
      %add3A_96 = arith.constant 42 : i32
      %add3A_97 = vector.broadcast %add3A_96 : i32 to vector<64x128xi32>
      %add3A_98 = arith.addi %add3A_87, %add3A_97 : vector<64x128xi32>
      %add3A_99 = arith.constant 466689008 : i32
      %add3A_100 = vector.broadcast %add3A_99 : i32 to vector<64x128xi32>
      %add3A_101 = arith.addi %xor3A_95, %add3A_100 : vector<64x128xi32>
      %add3A_102 = arith.constant 1 : i32
      %add3A_103 = vector.broadcast %add3A_102 : i32 to vector<64x128xi32>
      %add3A_104 = arith.addi %add3A_101, %add3A_103 : vector<64x128xi32>
      %add3A_105 = arith.addi %add3A_98, %add3A_104 : vector<64x128xi32>
      %shift_left3A_106 = arith.constant 17 : i32
      %shift_left3A_107 = vector.broadcast %shift_left3A_106 : i32 to vector<64x128xi32>
      %shift_left3A_108 = arith.shli %add3A_104, %shift_left3A_107 : vector<64x128xi32>
      %shift_right_logical3A_109 = arith.constant 15 : i32
      %shift_right_logical3A_110 = vector.broadcast %shift_right_logical3A_109 : i32 to vector<64x128xi32>
      %shift_right_logical3A_111 = arith.shrui %add3A_104, %shift_right_logical3A_110 : vector<64x128xi32>
      %or3A_112 = arith.ori %shift_left3A_108, %shift_right_logical3A_111 : vector<64x128xi32>
      %xor3A_113 = arith.xori %or3A_112, %add3A_105 : vector<64x128xi32>
      %add3A_114 = arith.addi %add3A_105, %xor3A_113 : vector<64x128xi32>
      %shift_left3A_115 = arith.constant 29 : i32
      %shift_left3A_116 = vector.broadcast %shift_left3A_115 : i32 to vector<64x128xi32>
      %shift_left3A_117 = arith.shli %xor3A_113, %shift_left3A_116 : vector<64x128xi32>
      %shift_right_logical3A_118 = arith.constant 3 : i32
      %shift_right_logical3A_119 = vector.broadcast %shift_right_logical3A_118 : i32 to vector<64x128xi32>
      %shift_right_logical3A_120 = arith.shrui %xor3A_113, %shift_right_logical3A_119 : vector<64x128xi32>
      %or3A_121 = arith.ori %shift_left3A_117, %shift_right_logical3A_120 : vector<64x128xi32>
      %xor3A_122 = arith.xori %or3A_121, %add3A_114 : vector<64x128xi32>
      %add3A_123 = arith.addi %add3A_114, %xor3A_122 : vector<64x128xi32>
      %shift_left3A_124 = arith.constant 16 : i32
      %shift_left3A_125 = vector.broadcast %shift_left3A_124 : i32 to vector<64x128xi32>
      %shift_left3A_126 = arith.shli %xor3A_122, %shift_left3A_125 : vector<64x128xi32>
      %shift_right_logical3A_127 = arith.constant 16 : i32
      %shift_right_logical3A_128 = vector.broadcast %shift_right_logical3A_127 : i32 to vector<64x128xi32>
      %shift_right_logical3A_129 = arith.shrui %xor3A_122, %shift_right_logical3A_128 : vector<64x128xi32>
      %or3A_130 = arith.ori %shift_left3A_126, %shift_right_logical3A_129 : vector<64x128xi32>
      %xor3A_131 = arith.xori %or3A_130, %add3A_123 : vector<64x128xi32>
      %add3A_132 = arith.addi %add3A_123, %xor3A_131 : vector<64x128xi32>
      %shift_left3A_133 = arith.constant 24 : i32
      %shift_left3A_134 = vector.broadcast %shift_left3A_133 : i32 to vector<64x128xi32>
      %shift_left3A_135 = arith.shli %xor3A_131, %shift_left3A_134 : vector<64x128xi32>
      %shift_right_logical3A_136 = arith.constant 8 : i32
      %shift_right_logical3A_137 = vector.broadcast %shift_right_logical3A_136 : i32 to vector<64x128xi32>
      %shift_right_logical3A_138 = arith.shrui %xor3A_131, %shift_right_logical3A_137 : vector<64x128xi32>
      %or3A_139 = arith.ori %shift_left3A_135, %shift_right_logical3A_138 : vector<64x128xi32>
      %xor3A_140 = arith.xori %or3A_139, %add3A_132 : vector<64x128xi32>
      %add3A_141 = arith.constant 466689008 : i32
      %add3A_142 = vector.broadcast %add3A_141 : i32 to vector<64x128xi32>
      %add3A_143 = arith.addi %add3A_132, %add3A_142 : vector<64x128xi32>
      %add3A_144 = arith.constant 0 : i32
      %add3A_145 = vector.broadcast %add3A_144 : i32 to vector<64x128xi32>
      %add3A_146 = arith.addi %xor3A_140, %add3A_145 : vector<64x128xi32>
      %add3A_147 = arith.constant 2 : i32
      %add3A_148 = vector.broadcast %add3A_147 : i32 to vector<64x128xi32>
      %add3A_149 = arith.addi %add3A_146, %add3A_148 : vector<64x128xi32>
      %add3A_150 = arith.addi %add3A_143, %add3A_149 : vector<64x128xi32>
      %shift_left3A_151 = arith.constant 13 : i32
      %shift_left3A_152 = vector.broadcast %shift_left3A_151 : i32 to vector<64x128xi32>
      %shift_left3A_153 = arith.shli %add3A_149, %shift_left3A_152 : vector<64x128xi32>
      %shift_right_logical3A_154 = arith.constant 19 : i32
      %shift_right_logical3A_155 = vector.broadcast %shift_right_logical3A_154 : i32 to vector<64x128xi32>
      %shift_right_logical3A_156 = arith.shrui %add3A_149, %shift_right_logical3A_155 : vector<64x128xi32>
      %or3A_157 = arith.ori %shift_left3A_153, %shift_right_logical3A_156 : vector<64x128xi32>
      %xor3A_158 = arith.xori %or3A_157, %add3A_150 : vector<64x128xi32>
      %add3A_159 = arith.addi %add3A_150, %xor3A_158 : vector<64x128xi32>
      %shift_left3A_160 = arith.constant 15 : i32
      %shift_left3A_161 = vector.broadcast %shift_left3A_160 : i32 to vector<64x128xi32>
      %shift_left3A_162 = arith.shli %xor3A_158, %shift_left3A_161 : vector<64x128xi32>
      %shift_right_logical3A_163 = arith.constant 17 : i32
      %shift_right_logical3A_164 = vector.broadcast %shift_right_logical3A_163 : i32 to vector<64x128xi32>
      %shift_right_logical3A_165 = arith.shrui %xor3A_158, %shift_right_logical3A_164 : vector<64x128xi32>
      %or3A_166 = arith.ori %shift_left3A_162, %shift_right_logical3A_165 : vector<64x128xi32>
      %xor3A_167 = arith.xori %or3A_166, %add3A_159 : vector<64x128xi32>
      %add3A_168 = arith.addi %add3A_159, %xor3A_167 : vector<64x128xi32>
      %shift_left3A_169 = arith.constant 26 : i32
      %shift_left3A_170 = vector.broadcast %shift_left3A_169 : i32 to vector<64x128xi32>
      %shift_left3A_171 = arith.shli %xor3A_167, %shift_left3A_170 : vector<64x128xi32>
      %shift_right_logical3A_172 = arith.constant 6 : i32
      %shift_right_logical3A_173 = vector.broadcast %shift_right_logical3A_172 : i32 to vector<64x128xi32>
      %shift_right_logical3A_174 = arith.shrui %xor3A_167, %shift_right_logical3A_173 : vector<64x128xi32>
      %or3A_175 = arith.ori %shift_left3A_171, %shift_right_logical3A_174 : vector<64x128xi32>
      %xor3A_176 = arith.xori %or3A_175, %add3A_168 : vector<64x128xi32>
      %add3A_177 = arith.addi %add3A_168, %xor3A_176 : vector<64x128xi32>
      %shift_left3A_178 = arith.constant 6 : i32
      %shift_left3A_179 = vector.broadcast %shift_left3A_178 : i32 to vector<64x128xi32>
      %shift_left3A_180 = arith.shli %xor3A_176, %shift_left3A_179 : vector<64x128xi32>
      %shift_right_logical3A_181 = arith.constant 26 : i32
      %shift_right_logical3A_182 = vector.broadcast %shift_right_logical3A_181 : i32 to vector<64x128xi32>
      %shift_right_logical3A_183 = arith.shrui %xor3A_176, %shift_right_logical3A_182 : vector<64x128xi32>
      %or3A_184 = arith.ori %shift_left3A_180, %shift_right_logical3A_183 : vector<64x128xi32>
      %xor3A_185 = arith.xori %or3A_184, %add3A_177 : vector<64x128xi32>
      %add3A_186 = arith.constant 0 : i32
      %add3A_187 = vector.broadcast %add3A_186 : i32 to vector<64x128xi32>
      %add3A_188 = arith.addi %add3A_177, %add3A_187 : vector<64x128xi32>
      %add3A_189 = arith.constant 42 : i32
      %add3A_190 = vector.broadcast %add3A_189 : i32 to vector<64x128xi32>
      %add3A_191 = arith.addi %xor3A_185, %add3A_190 : vector<64x128xi32>
      %add3A_192 = arith.constant 3 : i32
      %add3A_193 = vector.broadcast %add3A_192 : i32 to vector<64x128xi32>
      %add3A_194 = arith.addi %add3A_191, %add3A_193 : vector<64x128xi32>
      %add3A_195 = arith.addi %add3A_188, %add3A_194 : vector<64x128xi32>
      %shift_left3A_196 = arith.constant 17 : i32
      %shift_left3A_197 = vector.broadcast %shift_left3A_196 : i32 to vector<64x128xi32>
      %shift_left3A_198 = arith.shli %add3A_194, %shift_left3A_197 : vector<64x128xi32>
      %shift_right_logical3A_199 = arith.constant 15 : i32
      %shift_right_logical3A_200 = vector.broadcast %shift_right_logical3A_199 : i32 to vector<64x128xi32>
      %shift_right_logical3A_201 = arith.shrui %add3A_194, %shift_right_logical3A_200 : vector<64x128xi32>
      %or3A_202 = arith.ori %shift_left3A_198, %shift_right_logical3A_201 : vector<64x128xi32>
      %xor3A_203 = arith.xori %or3A_202, %add3A_195 : vector<64x128xi32>
      %add3A_204 = arith.addi %add3A_195, %xor3A_203 : vector<64x128xi32>
      %shift_left3A_205 = arith.constant 29 : i32
      %shift_left3A_206 = vector.broadcast %shift_left3A_205 : i32 to vector<64x128xi32>
      %shift_left3A_207 = arith.shli %xor3A_203, %shift_left3A_206 : vector<64x128xi32>
      %shift_right_logical3A_208 = arith.constant 3 : i32
      %shift_right_logical3A_209 = vector.broadcast %shift_right_logical3A_208 : i32 to vector<64x128xi32>
      %shift_right_logical3A_210 = arith.shrui %xor3A_203, %shift_right_logical3A_209 : vector<64x128xi32>
      %or3A_211 = arith.ori %shift_left3A_207, %shift_right_logical3A_210 : vector<64x128xi32>
      %xor3A_212 = arith.xori %or3A_211, %add3A_204 : vector<64x128xi32>
      %add3A_213 = arith.addi %add3A_204, %xor3A_212 : vector<64x128xi32>
      %shift_left3A_214 = arith.constant 16 : i32
      %shift_left3A_215 = vector.broadcast %shift_left3A_214 : i32 to vector<64x128xi32>
      %shift_left3A_216 = arith.shli %xor3A_212, %shift_left3A_215 : vector<64x128xi32>
      %shift_right_logical3A_217 = arith.constant 16 : i32
      %shift_right_logical3A_218 = vector.broadcast %shift_right_logical3A_217 : i32 to vector<64x128xi32>
      %shift_right_logical3A_219 = arith.shrui %xor3A_212, %shift_right_logical3A_218 : vector<64x128xi32>
      %or3A_220 = arith.ori %shift_left3A_216, %shift_right_logical3A_219 : vector<64x128xi32>
      %xor3A_221 = arith.xori %or3A_220, %add3A_213 : vector<64x128xi32>
      %add3A_222 = arith.addi %add3A_213, %xor3A_221 : vector<64x128xi32>
      %shift_left3A_223 = arith.constant 24 : i32
      %shift_left3A_224 = vector.broadcast %shift_left3A_223 : i32 to vector<64x128xi32>
      %shift_left3A_225 = arith.shli %xor3A_221, %shift_left3A_224 : vector<64x128xi32>
      %shift_right_logical3A_226 = arith.constant 8 : i32
      %shift_right_logical3A_227 = vector.broadcast %shift_right_logical3A_226 : i32 to vector<64x128xi32>
      %shift_right_logical3A_228 = arith.shrui %xor3A_221, %shift_right_logical3A_227 : vector<64x128xi32>
      %or3A_229 = arith.ori %shift_left3A_225, %shift_right_logical3A_228 : vector<64x128xi32>
      %xor3A_230 = arith.xori %or3A_229, %add3A_222 : vector<64x128xi32>
      %add3A_231 = arith.constant 42 : i32
      %add3A_232 = vector.broadcast %add3A_231 : i32 to vector<64x128xi32>
      %add3A_233 = arith.addi %add3A_222, %add3A_232 : vector<64x128xi32>
      %add3A_234 = arith.constant 466689008 : i32
      %add3A_235 = vector.broadcast %add3A_234 : i32 to vector<64x128xi32>
      %add3A_236 = arith.addi %xor3A_230, %add3A_235 : vector<64x128xi32>
      %add3A_237 = arith.constant 4 : i32
      %add3A_238 = vector.broadcast %add3A_237 : i32 to vector<64x128xi32>
      %add3A_239 = arith.addi %add3A_236, %add3A_238 : vector<64x128xi32>
      %add3A_240 = arith.addi %add3A_233, %add3A_239 : vector<64x128xi32>
      %shift_left3A_241 = arith.constant 13 : i32
      %shift_left3A_242 = vector.broadcast %shift_left3A_241 : i32 to vector<64x128xi32>
      %shift_left3A_243 = arith.shli %add3A_239, %shift_left3A_242 : vector<64x128xi32>
      %shift_right_logical3A_244 = arith.constant 19 : i32
      %shift_right_logical3A_245 = vector.broadcast %shift_right_logical3A_244 : i32 to vector<64x128xi32>
      %shift_right_logical3A_246 = arith.shrui %add3A_239, %shift_right_logical3A_245 : vector<64x128xi32>
      %or3A_247 = arith.ori %shift_left3A_243, %shift_right_logical3A_246 : vector<64x128xi32>
      %xor3A_248 = arith.xori %or3A_247, %add3A_240 : vector<64x128xi32>
      %add3A_249 = arith.addi %add3A_240, %xor3A_248 : vector<64x128xi32>
      %shift_left3A_250 = arith.constant 15 : i32
      %shift_left3A_251 = vector.broadcast %shift_left3A_250 : i32 to vector<64x128xi32>
      %shift_left3A_252 = arith.shli %xor3A_248, %shift_left3A_251 : vector<64x128xi32>
      %shift_right_logical3A_253 = arith.constant 17 : i32
      %shift_right_logical3A_254 = vector.broadcast %shift_right_logical3A_253 : i32 to vector<64x128xi32>
      %shift_right_logical3A_255 = arith.shrui %xor3A_248, %shift_right_logical3A_254 : vector<64x128xi32>
      %or3A_256 = arith.ori %shift_left3A_252, %shift_right_logical3A_255 : vector<64x128xi32>
      %xor3A_257 = arith.xori %or3A_256, %add3A_249 : vector<64x128xi32>
      %add3A_258 = arith.addi %add3A_249, %xor3A_257 : vector<64x128xi32>
      %shift_left3A_259 = arith.constant 26 : i32
      %shift_left3A_260 = vector.broadcast %shift_left3A_259 : i32 to vector<64x128xi32>
      %shift_left3A_261 = arith.shli %xor3A_257, %shift_left3A_260 : vector<64x128xi32>
      %shift_right_logical3A_262 = arith.constant 6 : i32
      %shift_right_logical3A_263 = vector.broadcast %shift_right_logical3A_262 : i32 to vector<64x128xi32>
      %shift_right_logical3A_264 = arith.shrui %xor3A_257, %shift_right_logical3A_263 : vector<64x128xi32>
      %or3A_265 = arith.ori %shift_left3A_261, %shift_right_logical3A_264 : vector<64x128xi32>
      %xor3A_266 = arith.xori %or3A_265, %add3A_258 : vector<64x128xi32>
      %add3A_267 = arith.addi %add3A_258, %xor3A_266 : vector<64x128xi32>
      %shift_left3A_268 = arith.constant 6 : i32
      %shift_left3A_269 = vector.broadcast %shift_left3A_268 : i32 to vector<64x128xi32>
      %shift_left3A_270 = arith.shli %xor3A_266, %shift_left3A_269 : vector<64x128xi32>
      %shift_right_logical3A_271 = arith.constant 26 : i32
      %shift_right_logical3A_272 = vector.broadcast %shift_right_logical3A_271 : i32 to vector<64x128xi32>
      %shift_right_logical3A_273 = arith.shrui %xor3A_266, %shift_right_logical3A_272 : vector<64x128xi32>
      %or3A_274 = arith.ori %shift_left3A_270, %shift_right_logical3A_273 : vector<64x128xi32>
      %xor3A_275 = arith.xori %or3A_274, %add3A_267 : vector<64x128xi32>
      %add3A_276 = arith.constant 466689008 : i32
      %add3A_277 = vector.broadcast %add3A_276 : i32 to vector<64x128xi32>
      %add3A_278 = arith.addi %add3A_267, %add3A_277 : vector<64x128xi32>
      %add3A_279 = arith.constant 0 : i32
      %add3A_280 = vector.broadcast %add3A_279 : i32 to vector<64x128xi32>
      %add3A_281 = arith.addi %xor3A_275, %add3A_280 : vector<64x128xi32>
      %add3A_282 = arith.constant 5 : i32
      %add3A_283 = vector.broadcast %add3A_282 : i32 to vector<64x128xi32>
      %add3A_284 = arith.addi %add3A_281, %add3A_283 : vector<64x128xi32>
      %xor3A_285 = arith.xori %add3A_278, %add3A_284 : vector<64x128xi32>
      %shift_right_logical3A_286 = arith.constant 9 : i32
      %shift_right_logical3A_287 = vector.broadcast %shift_right_logical3A_286 : i32 to vector<64x128xi32>
      %shift_right_logical3A_288 = arith.shrui %xor3A_285, %shift_right_logical3A_287 : vector<64x128xi32>
      %lt3A = arith.constant 100000 : i32
      %lt3A_289 = vector.broadcast %lt3A : i32 to vector<64x128xi32>
      %lt3A_290 = arith.cmpi slt, %get3A_53, %lt3A_289 : vector<64x128xi32>
      %jit3A_291 = arith.constant -1 : i32
      %broadcast_in_dim3A_292 = vector.broadcast %jit3A_291 : i32 to vector<64x128xi32>
      %select_n3A_293 = arith.select %lt3A_290, %shift_right_logical3A_288, %broadcast_in_dim3A_292 : vector<64x128xi1>, vector<64x128xi32>
      %swap3A_294 = arith.index_cast %mul3A_50 : i32 to index
      %swap3A_295 = arith.constant 0 : index
      %swap3A_296 = vector.load %arg4[%swap3A_294, %swap3A_295] : memref<832x128xi32, #tpu.memory_space<vmem>>, vector<64x128xi32>
      tpu.vector_store %arg4[%swap3A_294, %swap3A_295], %select_n3A_293 {strides = array<i32>} : memref<832x128xi32, #tpu.memory_space<vmem>>, vector<64x128xi32>,
    }
    %scan3A_6 = arith.constant 13 : i32
    %get3A = arith.constant 0 : index
    %get3A_7 = arith.constant 0 : index
    %get3A_8 = arith.constant 0 : index
    %get3A_9 = memref.load %arg2[%get3A, %get3A_7, %get3A_8] : memref<1x1x1xi32, #tpu.memory_space<smem>>
    %get3A_10 = arith.constant 0 : index
    %get3A_11 = arith.constant 0 : index
    %get3A_12 = arith.constant 0 : index
    %get3A_13 = vector.load %arg1[%get3A_10, %get3A_11, %get3A_12] : memref<1x1x50xi32, #tpu.memory_space<vmem>>, vector<1x1x50xi32>
    %get3A_14 = vector.shape_cast %get3A_13 : vector<1x1x50xi32> to vector<1x50xi32>
    %get3A_15 = arith.constant 0 : index
    %get3A_16 = arith.constant 0 : index
    %get3A_17 = vector.load %arg4[%get3A_15, %get3A_16] : memref<832x128xi32, #tpu.memory_space<vmem>>, vector<832x128xi32>
    %reduce_max3A = vector.shape_cast %get3A_17 : vector<832x128xi32> to vector<1x832x128xi32>
    %reduce_max3A_18 = arith.constant dense<-2147483648> : vector<1xi32>
    %reduce_max3A_19 = vector.multi_reduction <maxsi>, %reduce_max3A, %reduce_max3A_18 [1, 2] : vector<1x832x128xi32> to vector<1xi32>
    %reduce_max3A_20 = vector.shape_cast %reduce_max3A_19 : vector<1xi32> to vector<1x1x1xi32>
    %reduce_max3A_21 = vector.extract %reduce_max3A_20[0, 0, 0] : i32 from vector<1x1x1xi32>
    %eq3A_22 = vector.broadcast %reduce_max3A_21 : i32 to vector<832x128xi32>
    %eq3A_23 = arith.cmpi eq, %get3A_17, %eq3A_22 : vector<832x128xi32>
    %get3A_24 = arith.constant 0 : index
    %get3A_25 = arith.constant 0 : index
    %get3A_26 = vector.load %arg5[%get3A_24, %get3A_25] : memref<832x128xi32, #tpu.memory_space<vmem>>, vector<832x128xi32>
    %jit3A = arith.constant 2147483647 : i32
    %broadcast_in_dim3A = vector.broadcast %jit3A : i32 to vector<832x128xi32>
    %select_n3A = arith.select %eq3A_23, %get3A_26, %broadcast_in_dim3A : vector<832x128xi1>, vector<832x128xi32>
    %reduce_min3A = vector.shape_cast %select_n3A : vector<832x128xi32> to vector<1x832x128xi32>
    %reduce_min3A_27 = arith.constant dense<2147483647> : vector<1xi32>
    %reduce_min3A_28 = vector.multi_reduction <minsi>, %reduce_min3A, %reduce_min3A_27 [1, 2] : vector<1x832x128xi32> to vector<1xi32>
    %reduce_min3A_29 = vector.shape_cast %reduce_min3A_28 : vector<1xi32> to vector<1x1x1xi32>
    %reduce_min3A_30 = vector.extract %reduce_min3A_29[0, 0, 0] : i32 from vector<1x1x1xi32>
    %eq3A_31 = vector.broadcast %reduce_min3A_30 : i32 to vector<1x50xi32>
    %eq3A_32 = arith.cmpi eq, %get3A_14, %eq3A_31 : vector<1x50xi32>
    %reduce_or3A = arith.constant 1.000000e+00 : f32
    %reduce_or3A_33 = arith.constant 0.000000e+00 : f32
    %reduce_or3A_34 = vector.broadcast %reduce_or3A : f32 to vector<1x50xf32>
    %reduce_or3A_35 = vector.broadcast %reduce_or3A_33 : f32 to vector<1x50xf32>
    %reduce_or3A_36 = arith.select %eq3A_32, %reduce_or3A_34, %reduce_or3A_35 : vector<1x50xi1>, vector<1x50xf32>
    %reduce_or3A_37 = vector.shape_cast %reduce_or3A_36 : vector<1x50xf32> to vector<1x1x50xf32>
    %reduce_or3A_38 = arith.constant dense<0xFF800000> : vector<1xf32>
    %reduce_or3A_39 = vector.multi_reduction <maximumf>, %reduce_or3A_37, %reduce_or3A_38 [1, 2] : vector<1x1x50xf32> to vector<1xf32>
    %reduce_or3A_40 = vector.shape_cast %reduce_or3A_39 : vector<1xf32> to vector<1x1x1xf32>
    %reduce_or3A_41 = vector.extract %reduce_or3A_40[0, 0, 0] : f32 from vector<1x1x1xf32>
    %reduce_or3A_42 = arith.constant 0.000000e+00 : f32
    %reduce_or3A_43 = arith.cmpf ogt, %reduce_or3A_41, %reduce_or3A_42 : f32
    %eq3A_44 = arith.cmpi eq, %reduce_min3A_30, %get3A_9 : i32
    %or3A = arith.ori %reduce_or3A_43, %eq3A_44 : i1
    %while3A:2 = scf.while (%while3A_48 = %reduce_min3A_30, %while3A_49 = %or3A) : (i32, i1) -> (i32, i1) {
      scf.condition(%while3A_49) %while3A_48, %while3A_49 : i32, i1
    } do {
    ^bb0(%while3A_48: i32, %while3A_49: i1):
      %shift_right_arithmetic3A = arith.constant 7 : i32
      %shift_right_arithmetic3A_50 = arith.shrsi %while3A_48, %shift_right_arithmetic3A : i32
      %and3A = arith.constant 127 : i32
      %and3A_51 = arith.andi %while3A_48, %and3A : i32
      %iota3A = tpu.iota {dimensions = array<i32: 1>} : vector<1x128xi32>
      %get3A_52 = arith.index_cast %shift_right_arithmetic3A_50 : i32 to index
      %get3A_53 = arith.constant 0 : index
      %get3A_54 = vector.load %arg4[%get3A_52, %get3A_53] : memref<832x128xi32, #tpu.memory_space<vmem>>, vector<1x128xi32>
      %eq3A_55 = vector.broadcast %and3A_51 : i32 to vector<1x128xi32>
      %eq3A_56 = arith.cmpi eq, %iota3A, %eq3A_55 : vector<1x128xi32>
      %jit3A_57 = arith.constant -1 : i32
      %broadcast_in_dim3A_58 = vector.broadcast %jit3A_57 : i32 to vector<1x128xi32>
      %select_n3A_59 = arith.select %eq3A_56, %broadcast_in_dim3A_58, %get3A_54 : vector<1x128xi1>, vector<1x128xi32>
      %swap3A_60 = arith.index_cast %shift_right_arithmetic3A_50 : i32 to index
      %swap3A_61 = arith.constant 0 : index
      %swap3A_62 = vector.load %arg4[%swap3A_60, %swap3A_61] : memref<832x128xi32, #tpu.memory_space<vmem>>, vector<1x128xi32>
      tpu.vector_store %arg4[%swap3A_60, %swap3A_61], %select_n3A_59 {strides = array<i32>} : memref<832x128xi32, #tpu.memory_space<vmem>>, vector<1x128xi32>,
      %get3A_63 = arith.constant 0 : index
      %get3A_64 = arith.constant 0 : index
      %get3A_65 = vector.load %arg4[%get3A_63, %get3A_64] : memref<832x128xi32, #tpu.memory_space<vmem>>, vector<832x128xi32>
      %reduce_max3A_66 = vector.shape_cast %get3A_65 : vector<832x128xi32> to vector<1x832x128xi32>
      %reduce_max3A_67 = arith.constant dense<-2147483648> : vector<1xi32>
      %reduce_max3A_68 = vector.multi_reduction <maxsi>, %reduce_max3A_66, %reduce_max3A_67 [1, 2] : vector<1x832x128xi32> to vector<1xi32>
      %reduce_max3A_69 = vector.shape_cast %reduce_max3A_68 : vector<1xi32> to vector<1x1x1xi32>
      %reduce_max3A_70 = vector.extract %reduce_max3A_69[0, 0, 0] : i32 from vector<1x1x1xi32>
      %eq3A_71 = vector.broadcast %reduce_max3A_70 : i32 to vector<832x128xi32>
      %eq3A_72 = arith.cmpi eq, %get3A_65, %eq3A_71 : vector<832x128xi32>
      %get3A_73 = arith.constant 0 : index
      %get3A_74 = arith.constant 0 : index
      %get3A_75 = vector.load %arg5[%get3A_73, %get3A_74] : memref<832x128xi32, #tpu.memory_space<vmem>>, vector<832x128xi32>
      %jit3A_76 = arith.constant 2147483647 : i32
      %broadcast_in_dim3A_77 = vector.broadcast %jit3A_76 : i32 to vector<832x128xi32>
      %select_n3A_78 = arith.select %eq3A_72, %get3A_75, %broadcast_in_dim3A_77 : vector<832x128xi1>, vector<832x128xi32>
      %reduce_min3A_79 = vector.shape_cast %select_n3A_78 : vector<832x128xi32> to vector<1x832x128xi32>
      %reduce_min3A_80 = arith.constant dense<2147483647> : vector<1xi32>
      %reduce_min3A_81 = vector.multi_reduction <minsi>, %reduce_min3A_79, %reduce_min3A_80 [1, 2] : vector<1x832x128xi32> to vector<1xi32>
      %reduce_min3A_82 = vector.shape_cast %reduce_min3A_81 : vector<1xi32> to vector<1x1x1xi32>
      %reduce_min3A_83 = vector.extract %reduce_min3A_82[0, 0, 0] : i32 from vector<1x1x1xi32>
      %eq3A_84 = vector.broadcast %reduce_min3A_83 : i32 to vector<1x50xi32>
      %eq3A_85 = arith.cmpi eq, %get3A_14, %eq3A_84 : vector<1x50xi32>
      %reduce_or3A_86 = arith.constant 1.000000e+00 : f32
      %reduce_or3A_87 = arith.constant 0.000000e+00 : f32
      %reduce_or3A_88 = vector.broadcast %reduce_or3A_86 : f32 to vector<1x50xf32>
      %reduce_or3A_89 = vector.broadcast %reduce_or3A_87 : f32 to vector<1x50xf32>
      %reduce_or3A_90 = arith.select %eq3A_85, %reduce_or3A_88, %reduce_or3A_89 : vector<1x50xi1>, vector<1x50xf32>
      %reduce_or3A_91 = vector.shape_cast %reduce_or3A_90 : vector<1x50xf32> to vector<1x1x50xf32>
      %reduce_or3A_92 = arith.constant dense<0xFF800000> : vector<1xf32>
      %reduce_or3A_93 = vector.multi_reduction <maximumf>, %reduce_or3A_91, %reduce_or3A_92 [1, 2] : vector<1x1x50xf32> to vector<1xf32>
      %reduce_or3A_94 = vector.shape_cast %reduce_or3A_93 : vector<1xf32> to vector<1x1x1xf32>
      %reduce_or3A_95 = vector.extract %reduce_or3A_94[0, 0, 0] : f32 from vector<1x1x1xf32>
      %reduce_or3A_96 = arith.constant 0.000000e+00 : f32
      %reduce_or3A_97 = arith.cmpf ogt, %reduce_or3A_95, %reduce_or3A_96 : f32
      %eq3A_98 = arith.cmpi eq, %reduce_min3A_83, %get3A_9 : i32
      %or3A_99 = arith.ori %reduce_or3A_97, %eq3A_98 : i1
      scf.yield %reduce_min3A_83, %or3A_99 : i32, i1
    }
    %swap3A = arith.constant 0 : index
    %swap3A_45 = arith.constant 0 : index
    %swap3A_46 = arith.constant 0 : index
    %swap3A_47 = memref.load %arg3[%swap3A, %swap3A_45, %swap3A_46] : memref<1x1x1xi32, #tpu.memory_space<smem>>
    memref.store %while3A#0, %arg3[%swap3A, %swap3A_45, %swap3A_46] : memref<1x1x1xi32, #tpu.memory_space<smem>>
    return
  }
  func.func @transform_0(%arg0: i32) -> (i32, i32, i32) {
    %c0_i32 = arith.constant 0 : i32
    %c0_i32_0 = arith.constant 0 : i32
    %c0_i32_1 = arith.constant 0 : i32
    return %arg0, %c0_i32, %c0_i32_0 : i32, i32, i32
  }
  func.func @transform_1(%arg0: i32) -> (i32, i32, i32) {
    %c0_i32 = arith.constant 0 : i32
    %c0_i32_0 = arith.constant 0 : i32
    %c0_i32_1 = arith.constant 0 : i32
    return %arg0, %c0_i32, %c0_i32_0 : i32, i32, i32
  }
  func.func @transform_2(%arg0: i32) -> (i32, i32, i32) {
    %c0_i32 = arith.constant 0 : i32
    %c0_i32_0 = arith.constant 0 : i32
    %c0_i32_1 = arith.constant 0 : i32
    return %arg0, %c0_i32, %c0_i32_0 : i32, i32, i32
  }
}

module attributes {stable_mosaic.version = 14 : i64} {
  func.func @_loss_body(%arg0: memref<8x128xf32, #tpu.memory_space<vmem>>, %arg1: memref<8x128xf32, #tpu.memory_space<vmem>>, %arg2: memref<1x1xf32, #tpu.memory_space<smem>>) attributes {dimension_semantics = [], scalar_prefetch = 0 : i64, scratch_operands = 0 : i64, tpu.core_type = #tpu.core_type<tc>} {
    %get3A = arith.constant 0 : index
    %get3A_0 = arith.constant 0 : index
    %get3A_1 = vector.load %arg0[%get3A, %get3A_0] : memref<8x128xf32, #tpu.memory_space<vmem>>, vector<8x128xf32>
    %get3A_2 = arith.constant 0 : index
    %get3A_3 = arith.constant 0 : index
    %get3A_4 = vector.load %arg1[%get3A_2, %get3A_3] : memref<8x128xf32, #tpu.memory_space<vmem>>, vector<8x128xf32>
    %sub3A = arith.subf %get3A_1, %get3A_4 : vector<8x128xf32>
    %min3A = arith.constant 0.000000e+00 : f32
    %min3A_5 = vector.broadcast %min3A : f32 to vector<8x128xf32>
    %min3A_6 = arith.minimumf %sub3A, %min3A_5 : vector<8x128xf32>
    %abs3A = math.absf %sub3A : vector<8x128xf32>
    %neg3A = arith.constant 0.000000e+00 : f32
    %neg3A_7 = vector.broadcast %neg3A : f32 to vector<8x128xf32>
    %neg3A_8 = arith.subf %neg3A_7, %abs3A : vector<8x128xf32>
    %exp3A = math.exp %neg3A_8 : vector<8x128xf32>
    %add3A = arith.constant 1.000000e+00 : f32
    %add3A_9 = vector.broadcast %add3A : f32 to vector<8x128xf32>
    %add3A_10 = arith.addf %add3A_9, %exp3A : vector<8x128xf32>
    %log3A = math.log %add3A_10 : vector<8x128xf32>
    %sub3A_11 = arith.subf %min3A_6, %log3A : vector<8x128xf32>
    %reduce_sum3A = vector.shape_cast %sub3A_11 : vector<8x128xf32> to vector<1x8x128xf32>
    %reduce_sum3A_12 = arith.constant dense<0.000000e+00> : vector<1xf32>
    %reduce_sum3A_13 = vector.multi_reduction <add>, %reduce_sum3A, %reduce_sum3A_12 [1, 2] : vector<1x8x128xf32> to vector<1xf32>
    %reduce_sum3A_14 = vector.shape_cast %reduce_sum3A_13 : vector<1xf32> to vector<1x1x1xf32>
    %reduce_sum3A_15 = vector.extract %reduce_sum3A_14[0, 0, 0] : f32 from vector<1x1x1xf32>
    %neg3A_16 = arith.constant 0.000000e+00 : f32
    %neg3A_17 = arith.subf %neg3A_16, %reduce_sum3A_15 : f32
    %mul3A = arith.constant 9.765625E-4 : f32
    %mul3A_18 = arith.mulf %neg3A_17, %mul3A : f32
    %swap3A = arith.constant 0 : index
    %swap3A_19 = arith.constant 0 : index
    %swap3A_20 = memref.load %arg2[%swap3A, %swap3A_19] : memref<1x1xf32, #tpu.memory_space<smem>>
    memref.store %mul3A_18, %arg2[%swap3A, %swap3A_19] : memref<1x1xf32, #tpu.memory_space<smem>>
    return
  }
}

</mosaic_0001>

<sc_bundles>
// kernel: kernel.5.cloned.1.call-start
scs
__scs_entry_jumppad:
0x0: {  	(pc) =	sbr.rel $0x88, $3  }
0x1: {  	(tag) =	ssettag $0x0;
	lr =	simm.s32 $0x1  }
0x2: {  	[smem:$0x3F9E] =	sst lr;
	_ =	strace $0xD0000000  }
0x3: {  	_ = 	snop  }
0x4: {  	_ = 	snop  }
0x5: {  	_ = 	snop  }
0x6: {  	_ = 	snop  }
0x7: {  	_ = 	snop  }
__scs_overlays_trampoline_lowered:
0x8: {  	[smem:$0x3FAD] =	sst s0  }
0x9: {  	[smem:$0x3FAE] =	sst s1  }
0xa: {  	[smem:$0x3FAF] =	sst s2  }
0xb: {  	[smem:$0x3FB0] =	sst s3  }
0xc: {  	[smem:$0x3FB1] =	sst s4  }
0xd: {  	[smem:$0x3FB2] =	sst s5  }
0xe: {  	[smem:$0x3FB3] =	sst s6  }
0xf: {  	[smem:$0x3FB4] =	sst s7  }
0x10: {  	[smem:$0x3FB5] =	sst s8  }
0x11: {  	[smem:$0x3FB6] =	sst s9;
	s0 =	simm.s32 @!p0 $0x0  }
0x12: {  	s1 =	sld [smem:$0x3F9C];
	s0 =	simm.s32 @p0 $0x1  }
0x13: {  	[smem:$0x3FB7] =	sst s0;
	s0 =	simm.s32 @!p1 $0x0  }
0x14: {  	s2 =	sld [smem:$0x3F9B];
	s0 =	simm.s32 @p1 $0x1  }
0x15: {  	[smem:$0x3FB8] =	sst s0;
	s0 =	simm.s32 @!p2 $0x0  }
0x16: {  	s3 =	sld [smem:$0x3FDB];
	s0 =	simm.s32 @p2 $0x1  }
0x17: {  	s4 =	simm.s32 $0x1BF5;
	[smem:$0x3FBA] =	sst s0  }
0x18: {  	s0 =	sld [smem:$0x3F9D];
	_ =	swait.ge [sflag:s4], $0x0  }
0x19: {  	s7 =	sld [smem:$0x3F9E]  }
0x1a: {  	s8 =	sadd.s32 $0xFFFFE003, lr  }
0x1b: {  	s9 =	sadd.s32 $0xFFFFFEF7, lr;
	s5 =	simm.s32 $0xFFFFFFFF;
	p2 =	slt.u32 s8, $0xFFFFF086  }
0x1c: {  	p1 =	slt.u32 s9, $0xF7A;
	s5 =	simm.s32 @!p2 $0x0  }
0x1d: {  	s5 =	simm.s32 @p1 $0x1;
	p0 =	seq.s32 s7, s2  }
0x1e: {  	s7 =	smul.u32 @!p0 $0xF7A, s2;
	p2 =	seq.s32 @!p0 s5, $0x0  }
0x1f: {  	s9 =	smul.u32 $0xF7A, s1;
	s8 =	simm.s32 @!p0 $0x1BF5;
	p2 =	por !p2, p0  }
0x20: {  	[sflag:s8] =	ssyncset.s32 @!p0 $0xFFFFF086;
	s6 =	sadd.s32 @!p0 s3, s7;
	s7 =	simm.s32 @!p0 $0x108  }
0x21: {  	s3 =	sadd.s32 s3, s9;
	s6 =	sadd.s32 @!p0 $0x88, s6;
	s7 =	simm.s32 @p2 $0x1082  }
0x22: {  	[simem:s7], [sflag:s8] =	dma.local @!p0 [hbm:s6], $0xF7A  }
0x23: {  	s9 =	sor.u32 $0xD0000000, s2;
	s6 =	simm.s32 $0x108;
	_ =	swait.ge @!p0 [sflag:s8], $0x0  }
0x24: {  	s3 =	sadd.s32 $0x88, s3;
	s6 =	simm.s32 @!p1 $0x1082;
	[sflag:s4] =	ssyncset.s32 $0xFFFFF086  }
0x25: {  	[simem:s6], [sflag:s4] =	dma.local [hbm:s3], $0xF7A  }
0x26: {  	[smem:$0x3F9E] =	sst s1;
	(tag) =	ssettag s2;
	_ =	strace s9  }
0x27: {  	s1 =	sld [smem:$0x3FAE]  }
0x28: {  	s2 =	sld [smem:$0x3FAF]  }
0x29: {  	s4 =	sld [smem:$0x3FB1]  }
0x2a: {  	p0 =	seq.s32 s5, $0x0;
	s5 =	sld [smem:$0x3FB2]  }
0x2b: {  	s6 =	sld [smem:$0x3FB3]  }
0x2c: {  	s7 =	sld [smem:$0x3FB4]  }
0x2d: {  	s3 =	simm.s32 $0x108;
	s8 =	sld [smem:$0x3FB5]  }
0x2e: {  	s3 =	simm.s32 @!p0 $0x1082;
	s9 =	sld [smem:$0x3FB6]  }
0x2f: {  	lr =	sadd.s32 s0, s3;
	s0 =	sld [smem:$0x3FAD]  }
0x30: {  	s3 =	sld [smem:$0x3FB0]  }
0x31: {  	[smem:$0x3FB9] =	sst s10  }
0x32: {  	s10 =	sld [smem:$0x3FB7];
	_ =	sdelay $0x3  }
0x33: {  	p0 =	seq.s32 s10, $0x1;
	s10 =	sld [smem:$0x3FB9];
	_ =	sdelay $0x3  }
0x34: {  	[smem:$0x3FB9] =	sst s10  }
0x35: {  	s10 =	sld [smem:$0x3FB8];
	_ =	sdelay $0x3  }
0x36: {  	p1 =	seq.s32 s10, $0x1;
	s10 =	sld [smem:$0x3FB9];
	_ =	sdelay $0x3  }
0x37: {  	[smem:$0x3FB9] =	sst s10  }
0x38: {  	s10 =	sld [smem:$0x3FBA]  }
0x39: {  	_ = 	snop;
	(pc) =	sbr.ind lr, $3  }
0x3a: {  	_ = 	snop  }
0x3b: {  	_ = 	snop  }
0x3c: {  	p2 =	seq.s32 s10, $0x1;
	s10 =	sld [smem:$0x3FB9]  }
0x3d: {  	_ =	shalt  }
0x3e: {  	_ =	shalt  }
0x3f: {  	_ =	shalt  }
0x40: {  	_ =	shalt  }
0x41: {  	_ =	shalt  }
0x42: {  	_ =	shalt  }
0x43: {  	_ =	shalt  }
0x44: {  	_ =	shalt  }
0x45: {  	_ =	shalt  }
0x46: {  	_ =	shalt  }
0x47: {  	_ =	shalt  }
0x48: {  	_ =	shalt  }
0x49: {  	_ =	shalt  }
0x4a: {  	_ =	shalt  }
0x4b: {  	_ =	shalt  }
0x4c: {  	_ =	shalt  }
0x4d: {  	_ =	shalt  }
0x4e: {  	_ =	shalt  }
0x4f: {  	_ =	shalt  }
0x50: {  	_ =	shalt  }
0x51: {  	_ =	shalt  }
0x52: {  	_ =	shalt  }
0x53: {  	_ =	shalt  }
0x54: {  	_ =	shalt  }
0x55: {  	_ =	shalt  }
0x56: {  	_ =	shalt  }
0x57: {  	_ =	shalt  }
0x58: {  	_ =	shalt  }
0x59: {  	_ =	shalt  }
0x5a: {  	_ =	shalt  }
0x5b: {  	_ =	shalt  }
0x5c: {  	_ =	shalt  }
0x5d: {  	_ =	shalt  }
0x5e: {  	_ =	shalt  }
0x5f: {  	_ =	shalt  }
0x60: {  	_ =	shalt  }
0x61: {  	_ =	shalt  }
0x62: {  	_ =	shalt  }
0x63: {  	_ =	shalt  }
0x64: {  	_ =	shalt  }
0x65: {  	_ =	shalt  }
0x66: {  	_ =	shalt  }
0x67: {  	_ =	shalt  }
0x68: {  	_ =	shalt  }
0x69: {  	_ =	shalt  }
0x6a: {  	_ =	shalt  }
0x6b: {  	_ =	shalt  }
0x6c: {  	_ =	shalt  }
0x6d: {  	_ =	shalt  }
0x6e: {  	_ =	shalt  }
0x6f: {  	_ =	shalt  }
0x70: {  	_ =	shalt  }
0x71: {  	_ =	shalt  }
0x72: {  	_ =	shalt  }
0x73: {  	_ =	shalt  }
0x74: {  	_ =	shalt  }
0x75: {  	_ =	shalt  }
0x76: {  	_ =	shalt  }
0x77: {  	_ =	shalt  }
0x78: {  	_ =	shalt  }
0x79: {  	_ =	shalt  }
0x7a: {  	_ =	shalt  }
0x7b: {  	_ =	shalt  }
0x7c: {  	_ =	shalt  }
0x7d: {  	_ =	shalt  }
0x7e: {  	_ =	shalt  }
0x7f: {  	_ =	shalt  }
0x80: {  	_ =	shalt  }
0x81: {  	_ =	shalt  }
0x82: {  	_ =	shalt  }
0x83: {  	_ =	shalt  }
0x84: {  	_ =	shalt  }
0x85: {  	_ =	shalt  }
0x86: {  	_ =	shalt  }
0x87: {  	_ =	shalt  }
.Lfunc_end0:
.L_simem_size_0:
called_computation_lowered:
.L_overlay_start_0:
0x88: {  	s2 =	sld [smem:$0x3FD9]  }
0x89: {  	s3 =	sld [smem:$0x3FFE];
	_ =	sdelay $0x1  }
0x8a: {  	s1 =	srdreg.scid  }
0x8b: {  	s0 =	sand.u32 $0x1, s1  }
0x8c: {  	s17 =	sshll.u32 s0, $0xA;
	s2 =	sadd.s32 s3, s2  }
0x8d: {  	s2 =	sadd.s32 s2, s17  }
0x8e: {  	[smem:$0x3FC5] =	sst s2  }
0x8f: {  	_ = 	snop  }
0x90: {  	s2 =	sld [smem:$0x3FC7];
	(tm) =	ssettm $0x1  }
0x91: {  	s18 =	sld [smem:$0x3FFB];
	_ =	sdelay $0x3  }
0x92: {  	_ =	strace s18  }
0x93: {  	s3 =	sld [smem:$0x3FFC];
	_ =	sdelay $0x3  }
0x94: {  	_ =	strace s3  }
0x95: {  	s3 =	sld [smem:$0x3FFD];
	_ =	sdelay $0x3  }
0x96: {  	_ =	strace s3  }
0x97: {  	_ =	strace $0x8FFFFFFF  }
0x98: {  	s19 =	sld [smem:$0x3FDB];
	_ =	sdelay $0x1  }
0x99: {  	s4 =	simm.s32 $_scs_section_size  }
0x9a: {  	s5 =	simm.s32 $_size__tile_overlayer_lowered;
	s6 =	simm.s32 $_tile_overlayer_lowered  }
0x9b: {  	s22 =	simm.s32 $0x1BFF;
	s21 =	sshll.u32 s6, $0x1;
	s3 =	sadd.s32 s4, s19  }
0x9c: {  	s7 =	simm.s32 $0x0;
	s20 =	sshll.u32 s5, $0x1;
	s5 =	sadd.s32 s21, s3  }
0x9d: {  	[timem:s7], [sflag:s22] =	dma.local [hbm:s5], s20  }
0x9e: {  	_ =	swait.ge [sflag:s22], s20  }
0x9f: {  	s4 =	ssub.s32 $0x0, s20;
	[sflag:s22] =	ssyncset.done $0x0  }
0xa0: {  	[sflag:s22] =	ssyncadd.s32 s4;
	_ =	sdelay $0x1  }
0xa1: {  	s23 =	simm.s32 $0x1B8B  }
0xa2: {  	_ =	swait.ge [sflag:s23], $0x1  }
0xa3: {  	[sflag:s23] =	ssyncset.done $0x0  }
0xa4: {  	s25 =	simm.s32 $0x1B8E;
	s24 =	sld [smem:$0x3FFE];
	[sflag:s23] =	ssyncadd.s32 $0xFFFFFFFF  }
0xa5: {  	s26 =	simm.s32 $execute0_lowered;
	[smem:$0x3FD2] =	sst s25  }
0xa6: {  	s5 =	sshll.u32 s26, $0x1;
	_ =	strace $0x80000046;
	[dreg:$0x1] =	wrdreg $0xFFFFFFFF  }
0xa7: {  	s28 =	simm.s32 $_size_execute0_lowered;
	s3 =	sadd.s32 s3, s5;
	[dreg:$0x0] =	wrdreg $0x0  }
0xa8: {  	s5 =	sshll.u32 s28, $0x1;
	[dreg:$0x2] =	wrdreg s3  }
0xa9: {  	[dreg:$0x3] =	wrdreg s5  }
0xaa: {  	[dreg:$0x4] =	wrdreg $0xC0  }
0xab: {  	_ =	task [dreg:s7], $0x5FFFF  }
0xac: {  	[dreg:$0x1] =	wrdreg $0xFFFFFFFF  }
0xad: {  	[dreg:$0x0] =	wrdreg $0x60  }
0xae: {  	[dreg:$0x2] =	wrdreg s24  }
0xaf: {  	[dreg:$0x3] =	wrdreg s2  }
0xb0: {  	[dreg:$0x4] =	wrdreg $0x9  }
0xb1: {  	_ =	task.clear_ibuf [dreg:s7], $0x5FFFF;
	_ =	strace $0x90000046  }
0xb2: {  	s29 =	simm.s32 $0x9;
	_ =	strace $0x80000048  }
0xb3: {  	_ =	swait.ge [sflag:s29], $0x1  }
0xb4: {  	[sflag:s29] =	ssyncadd.s32 $0xFFFFFFFF  }
0xb5: {  	_ =	strace $0x90000048  }
0xb6: {  	_ =	sfence  }
0xb7: {  	s30 =	sld [smem:$0x0];
	_ =	sdelay $0x2  }
0xb8: {  	s31 =	sshll.u32 s1, $0xD;
	s1 =	sshrl.u32 s1, $0x2  }
0xb9: {  	s3 =	sand.u32 $0x4000, s31;
	s1 =	sadd.s32 s1, s30  }
0xba: {  	s0 =	sor.u32 s3, s0;
	s1 =	sshll.u32 s1, $0x11  }
0xbb: {  	s0 =	sor.u32 s1, s0  }
0xbc: {  	s0 =	sadd.s32 $0x8F2B, s0  }
0xbd: {  	[sflag:s0] =	ssyncadd.remote.s32 $0x1  }
0xbe: {  	_ =	sfence.sel $0xFFFF  }
0xbf: {  	[dreg:$0x0] =	wrdreg $0xFFFFFFFF;
	(pc) =	sbr.abs _section_cstart, $3  }
0xc0: {  	[dreg:$0x1] =	wrdreg $0xFFFFFFFF  }
0xc1: {  	_ =	task.clear_ibuf [dreg:s7], $0x2FFFF;
	_ =	strace $0x9FFFFFFF  }
0xc2: {  	(tm) =	ssettm $0x7FFFFFFF  }
0xc3: {  	_ =	shalt  }
tec
execute0_lowered:
.L_overlay_start_1:
0x0: {  	(tag) =	ssettag $0x1  }
0x1: {  	s1 =	srdreg.scid  }
0x2: {  	s7 =	rddreg [dreg:$0x0];
	s0 =	stileid.u32;
	s13 =	sand.u32 $0x1, s1  }
0x3: {  	s3 =	rddreg [dreg:$0x1];
	s4 =	sshll.u32 s0, $0x6;
	s5 =	sshll.u32 s13, $0x5  }
0x4: {  	s2 =	simm.s32 $0x0;
	s1 =	rddreg [dreg:$0x2];
	s8 =	sor.u32 s5, s4  }
0x5: {  	[smem:$0x7FF] =	sst s2;
	s5 =	sshrl.u32 s8, $0x3  }
0x6: {  	_ =	strace $0x80000047;
	s4 =	sadd.s32 s3, s5;
	s3 =	simm.s32 $0x3  }
0x7: {  	[tilespmem:s2], [sflag:$0x3] =	stream.linear.gather [hbm4b:s4+s2], $0x20, $0x38;
	[tilespmem:$0x200] =	vst v63  }
0x8: {  	_ =	swait.ge [sflag:s3], $0x20  }
0x9: {  	s14 =	sadd.s32 s5, s7;
	[sflag:s3] =	ssyncset.done $0x0  }
0xa: {  	s6 =	simm.s32 $0x80;
	s5 =	sadd.s32 $0xC00, s14;
	[sflag:s3] =	ssyncadd.s32 $0xFFFFFFE0  }
0xb: {  	[tilespmem:s6], [sflag:$0x3] =	stream.linear.gather [hbm4b:s5+s2], $0x20, $0x38;
	[tilespmem:$0x200] =	vst v63  }
0xc: {  	_ =	swait.ge [sflag:s3], $0x20  }
0xd: {  	s9 =	sor.u32 $0x10, s8;
	[sflag:s3] =	ssyncset.done $0x0  }
0xe: {  	v0 =	vmov s9;
	[sflag:s3] =	ssyncadd.s32 $0xFFFFFFE0  }
0xf: {  	v1 =	vmov s8;
	v0 =	vmul.u32 $0x186A0, v0;
	v2 =	vld [tilespmem:$0x90]  }
0x10: {  	v3 =	vlaneseq.u32;
	v1 =	vmul.u32 $0x186A0, v1;
	v4 =	vld [tilespmem:$0x0]  }
0x11: {  	v3 =	vmul.u32 $0x186A0, v3;
	v0 =	vbroadcast v0, $0x0;
	v5 =	vld [tilespmem:$0x10]  }
0x12: {  	v1 =	vbroadcast v1, $0x0;
	v6 =	vld [tilespmem:$0x80]  }
0x13: {  	v0 =	vadd.s32 v3, v0  }
0x14: {  	v1 =	vadd.s32 v3, v1;
	v2 =	vadd.s32 v0, v2  }
0x15: {  	v3 =	vadd.s32 v1, v4;
	[tilespmem:$0x90] =	vst v2  }
0x16: {  	[tilespmem:$0x0] =	vst v3;
	v2 =	vadd.s32 v0, v5  }
0x17: {  	v3 =	vadd.s32 v1, v6;
	[tilespmem:$0x10] =	vst v2  }
0x18: {  	s8 =	simm.s32 $0x20;
	s7 =	sadd.s32 $0xC38C00, s7;
	s9 =	simm.s32 $0x100;
	[tilespmem:$0x80] =	vst v3  }
0x19: {  	[tilespmem:s9], [sflag:$0x1] =	stream.indirect.gather [hbm4b:s7+s8], $0x1, s2, s8, $0xb8;
	[tilespmem:$0x200] =	vst v63  }
0x1a: {  	s10 =	simm.s32 $0x180;
	s11 =	simm.s32 $0x1  }
0x1b: {  	[tilespmem:s10], [sflag:$0x2] =	stream.indirect.gather [hbm4b:s7+s8], $0x1, s6, s8, $0xb8;
	[tilespmem:$0x200] =	vst v63  }
0x1c: {  	s13 =	ssub.s32 $0x2, s13;
	_ =	swait.ge [sflag:s11], $0x20  }
0x1d: {  	s15 =	sshrl.u32 s13, $0x1;
	[sflag:s11] =	ssyncset.done $0x0  }
0x1e: {  	s12 =	simm.s32 $0x2;
	s15 =	ssub.s32 s13, s15;
	[sflag:s11] =	ssyncadd.s32 $0xFFFFFFE0  }
0x1f: {  	s15 =	smax.u32 s15, $0x1;
	_ =	swait.ge [sflag:s12], $0x20  }
0x20: {  	p0 =	sne.s32 s15, $0x1;
	[sflag:s12] =	ssyncset.done $0x0  }
.Ltmp0:
0x21: {  	s13 =	sadd.s32 $0xE00, s14;
	[sflag:s12] =	ssyncadd.s32 $0xFFFFFFE0;
	(pc) =	sbr.rel @!p0 .LBB2_2-.Ltmp0, $4  }
0x22: {  	[hbm4b:s13+s2] =	stream.linear.scatter [tilespmem:s9], [sflag:$0x3], $0x20, $0x38;
	[tilespmem:$0x200] =	vst v63  }
0x23: {  	_ =	swait.ge [sflag:s3], $0x20  }
0x24: {  	[sflag:s3] =	ssyncset.done $0x0  }
0x25: {  	s14 =	sadd.s32 $0x1000, s14;
	s15 =	sadd.s32 $0xFFFFFFFF, s15;
	[sflag:s3] =	ssyncadd.s32 $0xFFFFFFE0  }
.LBB2_1:
0x26: {  	[hbm4b:s14+s2] =	stream.linear.scatter [tilespmem:s10], [sflag:$0x3], $0x20, $0x38;
	[tilespmem:$0x200] =	vst v63  }
0x27: {  	p0 =	sne.s32 s15, $0x1;
	s15 =	sadd.s32 $0xFFFFFFFF, s15;
	_ =	swait.ge [sflag:s3], $0x20  }
0x28: {  	[sflag:s3] =	ssyncset.done $0x0  }
0x29: {  	[sflag:s3] =	ssyncadd.s32 $0xFFFFFFE0  }
0x2a: {  	[tilespmem:s2], [sflag:$0x3] =	stream.linear.gather [hbm4b:s4+s2], $0x20, $0x38;
	[tilespmem:$0x200] =	vst v63  }
0x2b: {  	_ =	swait.ge [sflag:s3], $0x20  }
0x2c: {  	[sflag:s3] =	ssyncset.done $0x0  }
0x2d: {  	[sflag:s3] =	ssyncadd.s32 $0xFFFFFFE0  }
0x2e: {  	[tilespmem:s6], [sflag:$0x3] =	stream.linear.gather [hbm4b:s5+s2], $0x20, $0x38;
	[tilespmem:$0x200] =	vst v63  }
0x2f: {  	_ =	swait.ge [sflag:s3], $0x20  }
0x30: {  	[sflag:s3] =	ssyncset.done $0x0  }
0x31: {  	[sflag:s3] =	ssyncadd.s32 $0xFFFFFFE0  }
0x32: {  	v2 =	vld [tilespmem:$0x90]  }
0x33: {  	v3 =	vld [tilespmem:$0x0]  }
0x34: {  	v4 =	vld [tilespmem:$0x10]  }
0x35: {  	v5 =	vld [tilespmem:$0x80];
	_ =	sdelay $0x1  }
0x36: {  	v2 =	vadd.s32 v0, v2  }
0x37: {  	v3 =	vadd.s32 v1, v3;
	[tilespmem:$0x90] =	vst v2  }
0x38: {  	[tilespmem:$0x0] =	vst v3;
	v2 =	vadd.s32 v0, v4  }
0x39: {  	v3 =	vadd.s32 v1, v5;
	[tilespmem:$0x10] =	vst v2  }
0x3a: {  	[tilespmem:$0x80] =	vst v3  }
0x3b: {  	[tilespmem:s9], [sflag:$0x1] =	stream.indirect.gather [hbm4b:s7+s8], $0x1, s2, s8, $0xb8;
	[tilespmem:$0x200] =	vst v63  }
0x3c: {  	_ = 	snop  }
0x3d: {  	[tilespmem:s10], [sflag:$0x2] =	stream.indirect.gather [hbm4b:s7+s8], $0x1, s6, s8, $0xb8;
	[tilespmem:$0x200] =	vst v63  }
0x3e: {  	_ =	swait.ge [sflag:s11], $0x20  }
0x3f: {  	[sflag:s11] =	ssyncset.done $0x0  }
0x40: {  	[sflag:s11] =	ssyncadd.s32 $0xFFFFFFE0  }
0x41: {  	_ =	swait.ge [sflag:s12], $0x20  }
0x42: {  	[sflag:s12] =	ssyncset.done $0x0  }
.Ltmp1:
0x43: {  	[sflag:s12] =	ssyncadd.s32 $0xFFFFFFE0;
	(pc) =	sbr.rel @p0 .LBB2_1-.Ltmp1, $4  }
0x44: {  	[hbm4b:s13+s2] =	stream.linear.scatter [tilespmem:s9], [sflag:$0x3], $0x20, $0x38;
	[tilespmem:$0x200] =	vst v63  }
0x45: {  	_ =	swait.ge [sflag:s3], $0x20  }
0x46: {  	[sflag:s3] =	ssyncset.done $0x0  }
0x47: {  	[sflag:s3] =	ssyncadd.s32 $0xFFFFFFE0  }
.LBB2_2:
0x48: {  	[hbm4b:s14+s2] =	stream.linear.scatter [tilespmem:s10], [sflag:$0x3], $0x20, $0x38;
	[tilespmem:$0x200] =	vst v63  }
0x49: {  	_ =	swait.ge [sflag:s3], $0x20  }
0x4a: {  	[sflag:s3] =	ssyncset.done $0x0  }
0x4b: {  	[sflag:s3] =	ssyncadd.s32 $0xFFFFFFE0  }
0x4c: {  	_ =	sfence.sel $0x180000  }
0x4d: {  	[bflag:$0x0] =	sbarrier.arrive $0xFFFF  }
0x4e: {  	p0 =	sne.s32 s0, $0x0;
	_ =	strace $0x90000047  }
0x4f: {  	s0 =	sadd.s32 @!p0 $0x100000, s1;
	[bflag:$0x2] =	sbarrier.arrive $0xFFFF  }
0x50: {  	[sflag:s0] =	ssyncadd.tile.s32 @!p0 $0x1;
	_ =	shalt  }
.Lfunc_end2:
_tile_overlayer_lowered:
.L_overlay_start_2:
0x51: {  	(tag) =	ssettag $0x2  }
0x52: {  	s0 =	rddreg [dreg:$0x0];
	s2 =	stileid.u32  }
0x53: {  	s1 =	rddreg [dreg:$0x1];
	p0 =	sne.s32 s2, $0x0  }
0x54: {  	s3 =	rddreg [dreg:$0x2];
	[bflag:$0x3] =	sbarrier.arrive $0xFFFF;
	s2 =	simm.s32 @!p0 $0x1C03  }
0x55: {  	[timem:s3], [sflag:s2] =	dma.local @!p0 [hbm:s0], s1  }
0x56: {  	s0 =	simm.s32 @!p0 $0x3  }
0x57: {  	_ =	swait.ge @!p0 [sflag:s0], s1  }
0x58: {  	s1 =	ssub.s32 @!p0 $0x0, s1;
	[sflag:s0] =	ssyncset.done @!p0 $0x0  }
0x59: {  	[sflag:s0] =	ssyncadd.s32 @!p0 s1  }
0x5a: {  	[bflag:$0x3] =	sbarrier.arrive $0xFFFF  }
0x5b: {  	_ =	shalt  }

</sc_bundles>
